<compile_context>
chip_gen: v7x
topology: tpu7x:2x2x1
jax: 0.10.2.dev20260603
libtpu: 0.0.44.dev20260713+nightly
codegen_flags: <defaults>
</compile_context>

<pallas_src>
import functools

import jax
import jax.numpy as jnp
from jax import lax
from jax.experimental import pallas as pl
from jax.experimental.pallas import tpu as pltpu
from jax.experimental.pallas import tpu_sc as plsc

DIM = 768
NW = 32
CH = 32


def _sc_gather(table, idx3, batch):
    bpw = batch // NW
    nch = bpw // CH
    mesh = plsc.VectorSubcoreMesh(core_axis_name="c", subcore_axis_name="s")

    @functools.partial(
        pl.kernel,
        out_type=jax.ShapeDtypeStruct((batch, DIM), jnp.float32),
        mesh=mesh,
        scratch_types=[
            pltpu.VMEM((nch, CH), jnp.int32),
            pltpu.VMEM((4, CH, DIM), jnp.float32),
            pltpu.SemaphoreType.DMA,
            pltpu.SemaphoreType.DMA,
        ],
    )
    def k(table_hbm, idx_hbm, out_hbm, idx_v, rows_v, gsem, osem):
        wid = lax.axis_index("c") * 16 + lax.axis_index("s")
        base = wid * bpw
        pltpu.sync_copy(idx_hbm.at[wid], idx_v)

        def gather(c, slot):
            return pltpu.make_async_copy(
                table_hbm.at[idx_v.at[c]], rows_v.at[slot], gsem
            )

        def write(c, slot):
            return pltpu.make_async_copy(
                rows_v.at[slot], out_hbm.at[pl.ds(base + c * CH, CH)], osem
            )

        gather(0, 0).start()
        gather(1, 1).start()
        gather(2, 2).start()

        def body(c, _):
            slot = lax.rem(c, 4)
            gather(c, slot).wait()
            write(c, slot).start()

            @pl.when(c >= 1)
            def _():
                write(c - 1, lax.rem(c - 1, 4)).wait()

            @pl.when(c + 3 < nch)
            def _():
                gather(c + 3, lax.rem(c + 3, 4)).start()

            return 0

        lax.fori_loop(0, nch, body, 0, unroll=False)
        write(nch - 1, lax.rem(nch - 1, 4)).wait()

    return k(table, idx3)


def kernel(x, table):
    batch = x.shape[0] * x.shape[1]
    idx = x.reshape(-1).astype(jnp.int32)
    idx3 = idx.reshape(NW, batch // (NW * CH), CH)
    return _sc_gather(table, idx3, batch)

# --- scband reference (transcript-rebuilt; emitter-appended) ---
"""Pipeline reference for scband-learned-pe-model-5042291605991 (READ-ONLY COPY).

The authoritative reference and input builder live on the scoring server;
editing this copy changes nothing except your own understanding.
"""

import jax, jax.numpy as jnp
import numpy as np

NUM_EMB = 650
EMB_DIM = 768
BATCH = 4096
HIST = 50

def setup_inputs(seed: int = 0) -> dict:
    key = jax.random.key(seed)
    k1, k2 = jax.random.split(key)
    x = jax.random.randint(k1, (BATCH, HIST), 0, NUM_EMB, dtype=jnp.int64)
    table = jax.random.normal(k2, (NUM_EMB, EMB_DIM), dtype=jnp.float32)
    return {"x": x, "table": table}

def reference(x, table):
    idx = x.reshape(-1).astype(jnp.int32)
    return jnp.take(table, idx, axis=0)

if __name__ == "__main__":
    import jax
    _d = setup_inputs()
    print(jax.jit(kernel)(*tuple(_d.values())))

</pallas_src>

<mosaic_0001>
#map = affine_map<(d0, d1) -> (0, 0)>
#map1 = affine_map<(d0, d1) -> (0, 0, 0)>
module attributes {stable_mosaic.version = 14 : i64} {
  func.func @k(%arg0: i32, %arg1: i32, %arg2: memref<650x768xf32, #tpu.memory_space<hbm>>, %arg3: memref<32x200x32xi32, #tpu.memory_space<hbm>>, %arg4: memref<204800x768xf32, #tpu.memory_space<hbm>>, %arg5: memref<200x32xi32, #tpu.memory_space<vmem>>, %arg6: memref<4x32x768xf32, #tpu.memory_space<vmem>>, %arg7: memref<!tpu.dma_semaphore, #tpu.memory_space<semaphore_mem>>, %arg8: memref<!tpu.dma_semaphore, #tpu.memory_space<semaphore_mem>>) attributes {dimension_semantics = [#tpu.dimension_semantics<core_parallel>, #tpu.dimension_semantics<subcore_parallel>], iteration_bounds = array<i64: 2, 16>, scalar_prefetch = 0 : i64, scratch_operands = 4 : i64, tpu.core_type = #tpu.core_type<sc_vector_subcore>, window_params = [{transform_indices = #map}, {transform_indices = #map1}, {transform_indices = #map}]} {
    %mul3A = arith.constant 16 : i32
    %mul3A_0 = arith.muli %arg0, %mul3A : i32
    %add3A = arith.addi %mul3A_0, %arg1 : i32
    %mul3A_1 = arith.constant 6400 : i32
    %mul3A_2 = arith.muli %add3A, %mul3A_1 : i32
    "tpu.region"() ({
      %run_scoped3A = tpu.sem_alloc : memref<!tpu.dma_semaphore, #tpu.memory_space<semaphore_mem>>
      %dma_start3A_59 = arith.constant 0 : i32
      %dma_start3A_60 = arith.constant 0 : i32
      %dma_start3A_61 = tpu.memref_slice %arg3[%add3A, %dma_start3A_59, %dma_start3A_60] : memref<32x200x32xi32, #tpu.memory_space<hbm>> -> memref<1x200x32xi32, #tpu.memory_space<hbm>>
      %dma_start3A_62 = tpu.memref_squeeze %dma_start3A_61 : memref<1x200x32xi32, #tpu.memory_space<hbm>> -> memref<200x32xi32, #tpu.memory_space<hbm>>
      %dma_start3A_63 = arith.constant 0 : i32
      %dma_start3A_64 = arith.constant 0 : i32
      %dma_start3A_65 = tpu.memref_slice %arg3[%add3A, %dma_start3A_63, %dma_start3A_64] : memref<32x200x32xi32, #tpu.memory_space<hbm>> -> memref<1x200x32xi32, #tpu.memory_space<hbm>>
      %dma_start3A_66 = tpu.memref_squeeze %dma_start3A_65 : memref<1x200x32xi32, #tpu.memory_space<hbm>> -> memref<200x32xi32, #tpu.memory_space<hbm>>
      tpu.enqueue_dma source(%dma_start3A_66 : memref<200x32xi32, #tpu.memory_space<hbm>>) target(%arg5 : memref<200x32xi32, #tpu.memory_space<vmem>>) target_semaphore(%run_scoped3A : memref<!tpu.dma_semaphore, #tpu.memory_space<semaphore_mem>>)
      %dma_wait3A_67 = arith.constant 0 : i32
      %dma_wait3A_68 = arith.constant 0 : i32
      %dma_wait3A_69 = tpu.memref_slice %arg3[%add3A, %dma_wait3A_67, %dma_wait3A_68] : memref<32x200x32xi32, #tpu.memory_space<hbm>> -> memref<1x200x32xi32, #tpu.memory_space<hbm>>
      %dma_wait3A_70 = tpu.memref_squeeze %dma_wait3A_69 : memref<1x200x32xi32, #tpu.memory_space<hbm>> -> memref<200x32xi32, #tpu.memory_space<hbm>>
      %dma_wait3A_71 = arith.constant 0 : i32
      %dma_wait3A_72 = arith.constant 0 : i32
      %dma_wait3A_73 = tpu.memref_slice %arg3[%add3A, %dma_wait3A_71, %dma_wait3A_72] : memref<32x200x32xi32, #tpu.memory_space<hbm>> -> memref<1x200x32xi32, #tpu.memory_space<hbm>>
      %dma_wait3A_74 = tpu.memref_squeeze %dma_wait3A_73 : memref<1x200x32xi32, #tpu.memory_space<hbm>> -> memref<200x32xi32, #tpu.memory_space<hbm>>
      tpu.wait_dma2 semaphore(%run_scoped3A : memref<!tpu.dma_semaphore, #tpu.memory_space<semaphore_mem>>) src(%dma_wait3A_74 : memref<200x32xi32, #tpu.memory_space<hbm>>) dst(%arg5 : memref<200x32xi32, #tpu.memory_space<vmem>>)
      tpu.yield
    }) : () -> ()
    %dma_start3A = arith.constant 0 : i32
    %dma_start3A_3 = arith.constant 0 : i32
    %dma_start3A_4 = arith.constant 0 : i32
    %dma_start3A_5 = arith.constant 0 : i32
    %dma_start3A_6 = tpu.memref_slice %arg6[%dma_start3A_3, %dma_start3A_4, %dma_start3A_5] : memref<4x32x768xf32, #tpu.memory_space<vmem>> -> memref<1x32x768xf32, #tpu.memory_space<vmem>>
    %dma_start3A_7 = tpu.memref_squeeze %dma_start3A_6 : memref<1x32x768xf32, #tpu.memory_space<vmem>> -> memref<32x768xf32, #tpu.memory_space<vmem>>
    %dma_start3A_8 = arith.constant 0 : i32
    %dma_start3A_9 = tpu.memref_slice %arg5[%dma_start3A, %dma_start3A_8] : memref<200x32xi32, #tpu.memory_space<vmem>> -> memref<1x32xi32, #tpu.memory_space<vmem>>
    %dma_start3A_10 = tpu.memref_squeeze %dma_start3A_9 : memref<1x32xi32, #tpu.memory_space<vmem>> -> memref<32xi32, #tpu.memory_space<vmem>>
    %dma_start3A_11 = arith.constant 0 : i32
    %dma_start3A_12 = arith.constant 0 : i32
    %dma_start3A_13 = tpu.memref_slice %arg2[%dma_start3A_11, %dma_start3A_12] : memref<650x768xf32, #tpu.memory_space<hbm>> -> memref<650x768xf32, #tpu.memory_space<hbm>>
    tpu.enqueue_indirect_dma source(%dma_start3A_13 : memref<650x768xf32, #tpu.memory_space<hbm>>) target(%dma_start3A_7 : memref<32x768xf32, #tpu.memory_space<vmem>>) offsets(%dma_start3A_10 : memref<32xi32, #tpu.memory_space<vmem>>) semaphore(%arg7 : memref<!tpu.dma_semaphore, #tpu.memory_space<semaphore_mem>>)
    %dma_start3A_14 = arith.constant 1 : i32
    %dma_start3A_15 = arith.constant 1 : i32
    %dma_start3A_16 = arith.constant 0 : i32
    %dma_start3A_17 = arith.constant 0 : i32
    %dma_start3A_18 = tpu.memref_slice %arg6[%dma_start3A_15, %dma_start3A_16, %dma_start3A_17] : memref<4x32x768xf32, #tpu.memory_space<vmem>> -> memref<1x32x768xf32, #tpu.memory_space<vmem>>
    %dma_start3A_19 = tpu.memref_squeeze %dma_start3A_18 : memref<1x32x768xf32, #tpu.memory_space<vmem>> -> memref<32x768xf32, #tpu.memory_space<vmem>>
    %dma_start3A_20 = arith.constant 0 : i32
    %dma_start3A_21 = tpu.memref_slice %arg5[%dma_start3A_14, %dma_start3A_20] : memref<200x32xi32, #tpu.memory_space<vmem>> -> memref<1x32xi32, #tpu.memory_space<vmem>>
    %dma_start3A_22 = tpu.memref_squeeze %dma_start3A_21 : memref<1x32xi32, #tpu.memory_space<vmem>> -> memref<32xi32, #tpu.memory_space<vmem>>
    %dma_start3A_23 = arith.constant 0 : i32
    %dma_start3A_24 = arith.constant 0 : i32
    %dma_start3A_25 = tpu.memref_slice %arg2[%dma_start3A_23, %dma_start3A_24] : memref<650x768xf32, #tpu.memory_space<hbm>> -> memref<650x768xf32, #tpu.memory_space<hbm>>
    tpu.enqueue_indirect_dma source(%dma_start3A_25 : memref<650x768xf32, #tpu.memory_space<hbm>>) target(%dma_start3A_19 : memref<32x768xf32, #tpu.memory_space<vmem>>) offsets(%dma_start3A_22 : memref<32xi32, #tpu.memory_space<vmem>>) semaphore(%arg7 : memref<!tpu.dma_semaphore, #tpu.memory_space<semaphore_mem>>)
    %dma_start3A_26 = arith.constant 2 : i32
    %dma_start3A_27 = arith.constant 2 : i32
    %dma_start3A_28 = arith.constant 0 : i32
    %dma_start3A_29 = arith.constant 0 : i32
    %dma_start3A_30 = tpu.memref_slice %arg6[%dma_start3A_27, %dma_start3A_28, %dma_start3A_29] : memref<4x32x768xf32, #tpu.memory_space<vmem>> -> memref<1x32x768xf32, #tpu.memory_space<vmem>>
    %dma_start3A_31 = tpu.memref_squeeze %dma_start3A_30 : memref<1x32x768xf32, #tpu.memory_space<vmem>> -> memref<32x768xf32, #tpu.memory_space<vmem>>
    %dma_start3A_32 = arith.constant 0 : i32
    %dma_start3A_33 = tpu.memref_slice %arg5[%dma_start3A_26, %dma_start3A_32] : memref<200x32xi32, #tpu.memory_space<vmem>> -> memref<1x32xi32, #tpu.memory_space<vmem>>
    %dma_start3A_34 = tpu.memref_squeeze %dma_start3A_33 : memref<1x32xi32, #tpu.memory_space<vmem>> -> memref<32xi32, #tpu.memory_space<vmem>>
    %dma_start3A_35 = arith.constant 0 : i32
    %dma_start3A_36 = arith.constant 0 : i32
    %dma_start3A_37 = tpu.memref_slice %arg2[%dma_start3A_35, %dma_start3A_36] : memref<650x768xf32, #tpu.memory_space<hbm>> -> memref<650x768xf32, #tpu.memory_space<hbm>>
    tpu.enqueue_indirect_dma source(%dma_start3A_37 : memref<650x768xf32, #tpu.memory_space<hbm>>) target(%dma_start3A_31 : memref<32x768xf32, #tpu.memory_space<vmem>>) offsets(%dma_start3A_34 : memref<32xi32, #tpu.memory_space<vmem>>) semaphore(%arg7 : memref<!tpu.dma_semaphore, #tpu.memory_space<semaphore_mem>>)
    %scan3A = arith.constant 0 : i32
    %scan3A_38 = arith.constant 0 : i32
    %scan3A_39 = arith.constant 200 : i32
    %scan3A_40 = arith.addi %scan3A_38, %scan3A_39 : i32
    %scan3A_41 = arith.constant 1 : i32
    %scan3A_42 = scf.for %scan3A_59 = %scan3A_38 to %scan3A_40 step %scan3A_41 iter_args(%scan3A_60 = %scan3A) -> (i32)  : i32 {
      %rem3A_61 = arith.constant 4 : i32
      %rem3A_62 = arith.remsi %scan3A_59, %rem3A_61 : i32
      %dma_wait3A_63 = arith.constant 0 : i32
      %dma_wait3A_64 = arith.constant 0 : i32
      %dma_wait3A_65 = tpu.memref_slice %arg6[%rem3A_62, %dma_wait3A_63, %dma_wait3A_64] : memref<4x32x768xf32, #tpu.memory_space<vmem>> -> memref<1x32x768xf32, #tpu.memory_space<vmem>>
      %dma_wait3A_66 = tpu.memref_squeeze %dma_wait3A_65 : memref<1x32x768xf32, #tpu.memory_space<vmem>> -> memref<32x768xf32, #tpu.memory_space<vmem>>
      %dma_wait3A_67 = arith.constant 0 : i32
      %dma_wait3A_68 = tpu.memref_slice %arg5[%scan3A_59, %dma_wait3A_67] : memref<200x32xi32, #tpu.memory_space<vmem>> -> memref<1x32xi32, #tpu.memory_space<vmem>>
      %dma_wait3A_69 = tpu.memref_squeeze %dma_wait3A_68 : memref<1x32xi32, #tpu.memory_space<vmem>> -> memref<32xi32, #tpu.memory_space<vmem>>
      %dma_wait3A_70 = arith.constant 0 : i32
      %dma_wait3A_71 = arith.constant 0 : i32
      %dma_wait3A_72 = tpu.memref_slice %arg2[%dma_wait3A_70, %dma_wait3A_71] : memref<650x768xf32, #tpu.memory_space<hbm>> -> memref<650x768xf32, #tpu.memory_space<hbm>>
      tpu.wait_indirect_dma semaphore(%arg7 : memref<!tpu.dma_semaphore, #tpu.memory_space<semaphore_mem>>) src(%dma_wait3A_72 : memref<650x768xf32, #tpu.memory_space<hbm>>) dst(%dma_wait3A_66 : memref<32x768xf32, #tpu.memory_space<vmem>>)
      %mul3A_73 = arith.constant 32 : i32
      %mul3A_74 = arith.muli %scan3A_59, %mul3A_73 : i32
      %add3A_75 = arith.addi %mul3A_2, %mul3A_74 : i32
      %dma_start3A_76 = arith.constant 0 : i32
      %dma_start3A_77 = arith.constant 0 : i32
      %dma_start3A_78 = tpu.memref_slice %arg6[%rem3A_62, %dma_start3A_76, %dma_start3A_77] : memref<4x32x768xf32, #tpu.memory_space<vmem>> -> memref<1x32x768xf32, #tpu.memory_space<vmem>>
      %dma_start3A_79 = tpu.memref_squeeze %dma_start3A_78 : memref<1x32x768xf32, #tpu.memory_space<vmem>> -> memref<32x768xf32, #tpu.memory_space<vmem>>
      %dma_start3A_80 = arith.constant 0 : i32
      %dma_start3A_81 = tpu.memref_slice %arg4[%add3A_75, %dma_start3A_80] : memref<204800x768xf32, #tpu.memory_space<hbm>> -> memref<32x768xf32, #tpu.memory_space<hbm>>
      %dma_start3A_82 = arith.constant 0 : i32
      %dma_start3A_83 = tpu.memref_slice %arg4[%add3A_75, %dma_start3A_82] : memref<204800x768xf32, #tpu.memory_space<hbm>> -> memref<32x768xf32, #tpu.memory_space<hbm>>
      %dma_start3A_84 = arith.constant 0 : i32
      %dma_start3A_85 = arith.constant 0 : i32
      %dma_start3A_86 = tpu.memref_slice %arg6[%rem3A_62, %dma_start3A_84, %dma_start3A_85] : memref<4x32x768xf32, #tpu.memory_space<vmem>> -> memref<1x32x768xf32, #tpu.memory_space<vmem>>
      %dma_start3A_87 = tpu.memref_squeeze %dma_start3A_86 : memref<1x32x768xf32, #tpu.memory_space<vmem>> -> memref<32x768xf32, #tpu.memory_space<vmem>>
      tpu.enqueue_dma source(%dma_start3A_87 : memref<32x768xf32, #tpu.memory_space<vmem>>) target(%dma_start3A_83 : memref<32x768xf32, #tpu.memory_space<hbm>>) target_semaphore(%arg8 : memref<!tpu.dma_semaphore, #tpu.memory_space<semaphore_mem>>)
      %ge3A = arith.constant 1 : i32
      %ge3A_88 = arith.cmpi sge, %scan3A_59, %ge3A : i32
      %convert_element_type3A = arith.extui %ge3A_88 : i1 to i32
      %cond3A = arith.constant 0 : i32
      %cond3A_89 = arith.cmpi ne, %convert_element_type3A, %cond3A : i32
      scf.if %cond3A_89 {
        %sub3A = arith.constant 1 : i32
        %sub3A_97 = arith.subi %scan3A_59, %sub3A : i32
        %sub3A_98 = arith.constant 1 : i32
        %sub3A_99 = arith.subi %scan3A_59, %sub3A_98 : i32
        %rem3A_100 = arith.constant 4 : i32
        %rem3A_101 = arith.remsi %sub3A_99, %rem3A_100 : i32
        %mul3A_102 = arith.constant 32 : i32
        %mul3A_103 = arith.muli %sub3A_97, %mul3A_102 : i32
        %add3A_104 = arith.addi %mul3A_2, %mul3A_103 : i32
        %dma_wait3A_105 = arith.constant 0 : i32
        %dma_wait3A_106 = arith.constant 0 : i32
        %dma_wait3A_107 = tpu.memref_slice %arg6[%rem3A_101, %dma_wait3A_105, %dma_wait3A_106] : memref<4x32x768xf32, #tpu.memory_space<vmem>> -> memref<1x32x768xf32, #tpu.memory_space<vmem>>
        %dma_wait3A_108 = tpu.memref_squeeze %dma_wait3A_107 : memref<1x32x768xf32, #tpu.memory_space<vmem>> -> memref<32x768xf32, #tpu.memory_space<vmem>>
        %dma_wait3A_109 = arith.constant 0 : i32
        %dma_wait3A_110 = tpu.memref_slice %arg4[%add3A_104, %dma_wait3A_109] : memref<204800x768xf32, #tpu.memory_space<hbm>> -> memref<32x768xf32, #tpu.memory_space<hbm>>
        %dma_wait3A_111 = arith.constant 0 : i32
        %dma_wait3A_112 = tpu.memref_slice %arg4[%add3A_104, %dma_wait3A_111] : memref<204800x768xf32, #tpu.memory_space<hbm>> -> memref<32x768xf32, #tpu.memory_space<hbm>>
        %dma_wait3A_113 = arith.constant 0 : i32
        %dma_wait3A_114 = arith.constant 0 : i32
        %dma_wait3A_115 = tpu.memref_slice %arg6[%rem3A_101, %dma_wait3A_113, %dma_wait3A_114] : memref<4x32x768xf32, #tpu.memory_space<vmem>> -> memref<1x32x768xf32, #tpu.memory_space<vmem>>
        %dma_wait3A_116 = tpu.memref_squeeze %dma_wait3A_115 : memref<1x32x768xf32, #tpu.memory_space<vmem>> -> memref<32x768xf32, #tpu.memory_space<vmem>>
        tpu.wait_dma2 semaphore(%arg8 : memref<!tpu.dma_semaphore, #tpu.memory_space<semaphore_mem>>) src(%dma_wait3A_116 : memref<32x768xf32, #tpu.memory_space<vmem>>) dst(%dma_wait3A_112 : memref<32x768xf32, #tpu.memory_space<hbm>>)
      } else {
      }
      %add3A_90 = arith.constant 3 : i32
      %add3A_91 = arith.addi %scan3A_59, %add3A_90 : i32
      %lt3A = arith.constant 200 : i32
      %lt3A_92 = arith.cmpi slt, %add3A_91, %lt3A : i32
      %convert_element_type3A_93 = arith.extui %lt3A_92 : i1 to i32
      %cond3A_94 = arith.constant 0 : i32
      %cond3A_95 = arith.cmpi ne, %convert_element_type3A_93, %cond3A_94 : i32
      scf.if %cond3A_95 {
        %add3A_97 = arith.constant 3 : i32
        %add3A_98 = arith.addi %scan3A_59, %add3A_97 : i32
        %add3A_99 = arith.constant 3 : i32
        %add3A_100 = arith.addi %scan3A_59, %add3A_99 : i32
        %rem3A_101 = arith.constant 4 : i32
        %rem3A_102 = arith.remsi %add3A_100, %rem3A_101 : i32
        %dma_start3A_103 = arith.constant 0 : i32
        %dma_start3A_104 = arith.constant 0 : i32
        %dma_start3A_105 = tpu.memref_slice %arg6[%rem3A_102, %dma_start3A_103, %dma_start3A_104] : memref<4x32x768xf32, #tpu.memory_space<vmem>> -> memref<1x32x768xf32, #tpu.memory_space<vmem>>
        %dma_start3A_106 = tpu.memref_squeeze %dma_start3A_105 : memref<1x32x768xf32, #tpu.memory_space<vmem>> -> memref<32x768xf32, #tpu.memory_space<vmem>>
        %dma_start3A_107 = arith.constant 0 : i32
        %dma_start3A_108 = tpu.memref_slice %arg5[%add3A_98, %dma_start3A_107] : memref<200x32xi32, #tpu.memory_space<vmem>> -> memref<1x32xi32, #tpu.memory_space<vmem>>
        %dma_start3A_109 = tpu.memref_squeeze %dma_start3A_108 : memref<1x32xi32, #tpu.memory_space<vmem>> -> memref<32xi32, #tpu.memory_space<vmem>>
        %dma_start3A_110 = arith.constant 0 : i32
        %dma_start3A_111 = arith.constant 0 : i32
        %dma_start3A_112 = tpu.memref_slice %arg2[%dma_start3A_110, %dma_start3A_111] : memref<650x768xf32, #tpu.memory_space<hbm>> -> memref<650x768xf32, #tpu.memory_space<hbm>>
        tpu.enqueue_indirect_dma source(%dma_start3A_112 : memref<650x768xf32, #tpu.memory_space<hbm>>) target(%dma_start3A_106 : memref<32x768xf32, #tpu.memory_space<vmem>>) offsets(%dma_start3A_109 : memref<32xi32, #tpu.memory_space<vmem>>) semaphore(%arg7 : memref<!tpu.dma_semaphore, #tpu.memory_space<semaphore_mem>>)
      } else {
      }
      %scan3A_96 = arith.constant 0 : i32
      scf.yield %scan3A_96 : i32
    }
    %scan3A_43 = arith.constant 200 : i32
    %rem3A = arith.constant 199 : i32
    %rem3A_44 = arith.constant 4 : i32
    %rem3A_45 = arith.remsi %rem3A, %rem3A_44 : i32
    %add3A_46 = arith.constant 6368 : i32
    %add3A_47 = arith.addi %mul3A_2, %add3A_46 : i32
    %dma_wait3A = arith.constant 0 : i32
    %dma_wait3A_48 = arith.constant 0 : i32
    %dma_wait3A_49 = tpu.memref_slice %arg6[%rem3A_45, %dma_wait3A, %dma_wait3A_48] : memref<4x32x768xf32, #tpu.memory_space<vmem>> -> memref<1x32x768xf32, #tpu.memory_space<vmem>>
    %dma_wait3A_50 = tpu.memref_squeeze %dma_wait3A_49 : memref<1x32x768xf32, #tpu.memory_space<vmem>> -> memref<32x768xf32, #tpu.memory_space<vmem>>
    %dma_wait3A_51 = arith.constant 0 : i32
    %dma_wait3A_52 = tpu.memref_slice %arg4[%add3A_47, %dma_wait3A_51] : memref<204800x768xf32, #tpu.memory_space<hbm>> -> memref<32x768xf32, #tpu.memory_space<hbm>>
    %dma_wait3A_53 = arith.constant 0 : i32
    %dma_wait3A_54 = tpu.memref_slice %arg4[%add3A_47, %dma_wait3A_53] : memref<204800x768xf32, #tpu.memory_space<hbm>> -> memref<32x768xf32, #tpu.memory_space<hbm>>
    %dma_wait3A_55 = arith.constant 0 : i32
    %dma_wait3A_56 = arith.constant 0 : i32
    %dma_wait3A_57 = tpu.memref_slice %arg6[%rem3A_45, %dma_wait3A_55, %dma_wait3A_56] : memref<4x32x768xf32, #tpu.memory_space<vmem>> -> memref<1x32x768xf32, #tpu.memory_space<vmem>>
    %dma_wait3A_58 = tpu.memref_squeeze %dma_wait3A_57 : memref<1x32x768xf32, #tpu.memory_space<vmem>> -> memref<32x768xf32, #tpu.memory_space<vmem>>
    tpu.wait_dma2 semaphore(%arg8 : memref<!tpu.dma_semaphore, #tpu.memory_space<semaphore_mem>>) src(%dma_wait3A_58 : memref<32x768xf32, #tpu.memory_space<vmem>>) dst(%dma_wait3A_54 : memref<32x768xf32, #tpu.memory_space<hbm>>)
    return
  }
}

</mosaic_0001>

<sc_bundles>
// kernel: kernel.3.cloned.1.call-start
scs
__scs_entry_jumppad:
0x0: {  	(pc) =	sbr.rel $0x88, $3  }
0x1: {  	(tag) =	ssettag $0x0;
	lr =	simm.s32 $0x1  }
0x2: {  	[smem:$0x3F9F] =	sst lr;
	_ =	strace $0xD0000000  }
0x3: {  	_ = 	snop  }
0x4: {  	_ = 	snop  }
0x5: {  	_ = 	snop  }
0x6: {  	_ = 	snop  }
0x7: {  	_ = 	snop  }
__scs_overlays_trampoline_lowered:
0x8: {  	[smem:$0x3FAE] =	sst s0  }
0x9: {  	[smem:$0x3FAF] =	sst s1  }
0xa: {  	[smem:$0x3FB0] =	sst s2  }
0xb: {  	[smem:$0x3FB1] =	sst s3  }
0xc: {  	[smem:$0x3FB2] =	sst s4  }
0xd: {  	[smem:$0x3FB3] =	sst s5  }
0xe: {  	[smem:$0x3FB4] =	sst s6  }
0xf: {  	[smem:$0x3FB5] =	sst s7  }
0x10: {  	[smem:$0x3FB6] =	sst s8  }
0x11: {  	[smem:$0x3FB7] =	sst s9;
	s0 =	simm.s32 @!p0 $0x0  }
0x12: {  	s1 =	sld [smem:$0x3F9D];
	s0 =	simm.s32 @p0 $0x1  }
0x13: {  	[smem:$0x3FB8] =	sst s0;
	s0 =	simm.s32 @!p1 $0x0  }
0x14: {  	s2 =	sld [smem:$0x3F9C];
	s0 =	simm.s32 @p1 $0x1  }
0x15: {  	[smem:$0x3FB9] =	sst s0;
	s0 =	simm.s32 @!p2 $0x0  }
0x16: {  	s3 =	sld [smem:$0x3FDB];
	s0 =	simm.s32 @p2 $0x1  }
0x17: {  	s4 =	simm.s32 $0x1BF5;
	[smem:$0x3FBB] =	sst s0  }
0x18: {  	s0 =	sld [smem:$0x3F9E];
	_ =	swait.ge [sflag:s4], $0x0  }
0x19: {  	s7 =	sld [smem:$0x3F9F]  }
0x1a: {  	s8 =	sadd.s32 $0xFFFFE003, lr  }
0x1b: {  	s9 =	sadd.s32 $0xFFFFFEF7, lr;
	s5 =	simm.s32 $0xFFFFFFFF;
	p2 =	slt.u32 s8, $0xFFFFF086  }
0x1c: {  	p1 =	slt.u32 s9, $0xF7A;
	s5 =	simm.s32 @!p2 $0x0  }
0x1d: {  	s5 =	simm.s32 @p1 $0x1;
	p0 =	seq.s32 s7, s2  }
0x1e: {  	s7 =	smul.u32 @!p0 $0xF7A, s2;
	p2 =	seq.s32 @!p0 s5, $0x0  }
0x1f: {  	s9 =	smul.u32 $0xF7A, s1;
	s8 =	simm.s32 @!p0 $0x1BF5;
	p2 =	por !p2, p0  }
0x20: {  	[sflag:s8] =	ssyncset.s32 @!p0 $0xFFFFF086;
	s6 =	sadd.s32 @!p0 s3, s7;
	s7 =	simm.s32 @!p0 $0x108  }
0x21: {  	s3 =	sadd.s32 s3, s9;
	s6 =	sadd.s32 @!p0 $0x88, s6;
	s7 =	simm.s32 @p2 $0x1082  }
0x22: {  	[simem:s7], [sflag:s8] =	dma.local @!p0 [hbm:s6], $0xF7A  }
0x23: {  	s9 =	sor.u32 $0xD0000000, s2;
	s6 =	simm.s32 $0x108;
	_ =	swait.ge @!p0 [sflag:s8], $0x0  }
0x24: {  	s3 =	sadd.s32 $0x88, s3;
	s6 =	simm.s32 @!p1 $0x1082;
	[sflag:s4] =	ssyncset.s32 $0xFFFFF086  }
0x25: {  	[simem:s6], [sflag:s4] =	dma.local [hbm:s3], $0xF7A  }
0x26: {  	[smem:$0x3F9F] =	sst s1;
	(tag) =	ssettag s2;
	_ =	strace s9  }
0x27: {  	s1 =	sld [smem:$0x3FAF]  }
0x28: {  	s2 =	sld [smem:$0x3FB0]  }
0x29: {  	s4 =	sld [smem:$0x3FB2]  }
0x2a: {  	p0 =	seq.s32 s5, $0x0;
	s5 =	sld [smem:$0x3FB3]  }
0x2b: {  	s6 =	sld [smem:$0x3FB4]  }
0x2c: {  	s7 =	sld [smem:$0x3FB5]  }
0x2d: {  	s3 =	simm.s32 $0x108;
	s8 =	sld [smem:$0x3FB6]  }
0x2e: {  	s3 =	simm.s32 @!p0 $0x1082;
	s9 =	sld [smem:$0x3FB7]  }
0x2f: {  	lr =	sadd.s32 s0, s3;
	s0 =	sld [smem:$0x3FAE]  }
0x30: {  	s3 =	sld [smem:$0x3FB1]  }
0x31: {  	[smem:$0x3FBA] =	sst s10  }
0x32: {  	s10 =	sld [smem:$0x3FB8];
	_ =	sdelay $0x3  }
0x33: {  	p0 =	seq.s32 s10, $0x1;
	s10 =	sld [smem:$0x3FBA];
	_ =	sdelay $0x3  }
0x34: {  	[smem:$0x3FBA] =	sst s10  }
0x35: {  	s10 =	sld [smem:$0x3FB9];
	_ =	sdelay $0x3  }
0x36: {  	p1 =	seq.s32 s10, $0x1;
	s10 =	sld [smem:$0x3FBA];
	_ =	sdelay $0x3  }
0x37: {  	[smem:$0x3FBA] =	sst s10  }
0x38: {  	s10 =	sld [smem:$0x3FBB]  }
0x39: {  	_ = 	snop;
	(pc) =	sbr.ind lr, $3  }
0x3a: {  	_ = 	snop  }
0x3b: {  	_ = 	snop  }
0x3c: {  	p2 =	seq.s32 s10, $0x1;
	s10 =	sld [smem:$0x3FBA]  }
0x3d: {  	_ =	shalt  }
0x3e: {  	_ =	shalt  }
0x3f: {  	_ =	shalt  }
0x40: {  	_ =	shalt  }
0x41: {  	_ =	shalt  }
0x42: {  	_ =	shalt  }
0x43: {  	_ =	shalt  }
0x44: {  	_ =	shalt  }
0x45: {  	_ =	shalt  }
0x46: {  	_ =	shalt  }
0x47: {  	_ =	shalt  }
0x48: {  	_ =	shalt  }
0x49: {  	_ =	shalt  }
0x4a: {  	_ =	shalt  }
0x4b: {  	_ =	shalt  }
0x4c: {  	_ =	shalt  }
0x4d: {  	_ =	shalt  }
0x4e: {  	_ =	shalt  }
0x4f: {  	_ =	shalt  }
0x50: {  	_ =	shalt  }
0x51: {  	_ =	shalt  }
0x52: {  	_ =	shalt  }
0x53: {  	_ =	shalt  }
0x54: {  	_ =	shalt  }
0x55: {  	_ =	shalt  }
0x56: {  	_ =	shalt  }
0x57: {  	_ =	shalt  }
0x58: {  	_ =	shalt  }
0x59: {  	_ =	shalt  }
0x5a: {  	_ =	shalt  }
0x5b: {  	_ =	shalt  }
0x5c: {  	_ =	shalt  }
0x5d: {  	_ =	shalt  }
0x5e: {  	_ =	shalt  }
0x5f: {  	_ =	shalt  }
0x60: {  	_ =	shalt  }
0x61: {  	_ =	shalt  }
0x62: {  	_ =	shalt  }
0x63: {  	_ =	shalt  }
0x64: {  	_ =	shalt  }
0x65: {  	_ =	shalt  }
0x66: {  	_ =	shalt  }
0x67: {  	_ =	shalt  }
0x68: {  	_ =	shalt  }
0x69: {  	_ =	shalt  }
0x6a: {  	_ =	shalt  }
0x6b: {  	_ =	shalt  }
0x6c: {  	_ =	shalt  }
0x6d: {  	_ =	shalt  }
0x6e: {  	_ =	shalt  }
0x6f: {  	_ =	shalt  }
0x70: {  	_ =	shalt  }
0x71: {  	_ =	shalt  }
0x72: {  	_ =	shalt  }
0x73: {  	_ =	shalt  }
0x74: {  	_ =	shalt  }
0x75: {  	_ =	shalt  }
0x76: {  	_ =	shalt  }
0x77: {  	_ =	shalt  }
0x78: {  	_ =	shalt  }
0x79: {  	_ =	shalt  }
0x7a: {  	_ =	shalt  }
0x7b: {  	_ =	shalt  }
0x7c: {  	_ =	shalt  }
0x7d: {  	_ =	shalt  }
0x7e: {  	_ =	shalt  }
0x7f: {  	_ =	shalt  }
0x80: {  	_ =	shalt  }
0x81: {  	_ =	shalt  }
0x82: {  	_ =	shalt  }
0x83: {  	_ =	shalt  }
0x84: {  	_ =	shalt  }
0x85: {  	_ =	shalt  }
0x86: {  	_ =	shalt  }
0x87: {  	_ =	shalt  }
.Lfunc_end0:
.L_simem_size_0:
called_computation_lowered:
.L_overlay_start_0:
0x88: {  	s2 =	sld [smem:$0x3FD9]  }
0x89: {  	s3 =	sld [smem:$0x3FFE];
	_ =	sdelay $0x1  }
0x8a: {  	s1 =	srdreg.scid  }
0x8b: {  	s0 =	sand.u32 $0x1, s1  }
0x8c: {  	s17 =	sshll.u32 s0, $0xA;
	s2 =	sadd.s32 s3, s2  }
0x8d: {  	s2 =	sadd.s32 s2, s17  }
0x8e: {  	[smem:$0x3FC6] =	sst s2  }
0x8f: {  	_ = 	snop  }
0x90: {  	s2 =	sld [smem:$0x3FC8]  }
0x91: {  	s18 =	sld [smem:$0x3FD0];
	(tm) =	ssettm $0x1  }
0x92: {  	s4 =	sld [smem:$0x3FFB];
	_ =	sdelay $0x3  }
0x93: {  	_ =	strace s4  }
0x94: {  	s4 =	sld [smem:$0x3FFC];
	_ =	sdelay $0x3  }
0x95: {  	_ =	strace s4  }
0x96: {  	s4 =	sld [smem:$0x3FFD];
	_ =	sdelay $0x3  }
0x97: {  	_ =	strace s4  }
0x98: {  	_ =	strace $0x8FFFFFFF  }
0x99: {  	s19 =	sld [smem:$0x3FDB];
	_ =	sdelay $0x1  }
0x9a: {  	s5 =	simm.s32 $_scs_section_size  }
0x9b: {  	s6 =	simm.s32 $_size__tile_overlayer_lowered;
	s7 =	simm.s32 $_tile_overlayer_lowered  }
0x9c: {  	s22 =	simm.s32 $0x1BFF;
	s21 =	sshll.u32 s7, $0x1;
	s4 =	sadd.s32 s5, s19  }
0x9d: {  	s8 =	simm.s32 $0x0;
	s20 =	sshll.u32 s6, $0x1;
	s6 =	sadd.s32 s21, s4  }
0x9e: {  	[timem:s8], [sflag:s22] =	dma.local [hbm:s6], s20  }
0x9f: {  	_ =	swait.ge [sflag:s22], s20  }
0xa0: {  	s5 =	ssub.s32 $0x0, s20;
	[sflag:s22] =	ssyncset.done $0x0  }
0xa1: {  	[sflag:s22] =	ssyncadd.s32 s5;
	_ =	sdelay $0x1  }
0xa2: {  	s23 =	simm.s32 $0x1B8B  }
0xa3: {  	_ =	swait.ge [sflag:s23], $0x1  }
0xa4: {  	[sflag:s23] =	ssyncset.done $0x0  }
0xa5: {  	s25 =	simm.s32 $0x1B8E;
	s24 =	sld [smem:$0x3FFE];
	[sflag:s23] =	ssyncadd.s32 $0xFFFFFFFF  }
0xa6: {  	s26 =	simm.s32 $execute0_lowered;
	[smem:$0x3FD2] =	sst s25  }
0xa7: {  	s6 =	sshll.u32 s26, $0x1;
	_ =	strace $0x80000046;
	[dreg:$0x1] =	wrdreg $0xFFFFFFFF  }
0xa8: {  	s28 =	simm.s32 $_size_execute0_lowered;
	s4 =	sadd.s32 s4, s6;
	[dreg:$0x0] =	wrdreg $0x0  }
0xa9: {  	s6 =	sshll.u32 s28, $0x1;
	[dreg:$0x2] =	wrdreg s4  }
0xaa: {  	[dreg:$0x3] =	wrdreg s6  }
0xab: {  	[dreg:$0x4] =	wrdreg $0xC0  }
0xac: {  	_ =	task [dreg:s8], $0x5FFFF  }
0xad: {  	[dreg:$0x1] =	wrdreg $0xFFFFFFFF  }
0xae: {  	[dreg:$0x0] =	wrdreg $0x60  }
0xaf: {  	[dreg:$0x2] =	wrdreg s2  }
0xb0: {  	[dreg:$0x3] =	wrdreg s24  }
0xb1: {  	[dreg:$0x4] =	wrdreg s18  }
0xb2: {  	[dreg:$0x5] =	wrdreg $0x9  }
0xb3: {  	_ =	task.clear_ibuf [dreg:s8], $0x6FFFF;
	_ =	strace $0x90000046  }
0xb4: {  	s29 =	simm.s32 $0x9;
	_ =	strace $0x80000048  }
0xb5: {  	_ =	swait.ge [sflag:s29], $0x1  }
0xb6: {  	[sflag:s29] =	ssyncadd.s32 $0xFFFFFFFF  }
0xb7: {  	_ =	strace $0x90000048  }
0xb8: {  	_ =	sfence  }
0xb9: {  	s30 =	sld [smem:$0x0];
	_ =	sdelay $0x2  }
0xba: {  	s31 =	sshll.u32 s1, $0xD;
	s1 =	sshrl.u32 s1, $0x2  }
0xbb: {  	s3 =	sand.u32 $0x4000, s31;
	s1 =	sadd.s32 s1, s30  }
0xbc: {  	s0 =	sor.u32 s3, s0;
	s1 =	sshll.u32 s1, $0x11  }
0xbd: {  	s0 =	sor.u32 s1, s0  }
0xbe: {  	s0 =	sadd.s32 $0x8F2B, s0  }
0xbf: {  	[sflag:s0] =	ssyncadd.remote.s32 $0x1  }
0xc0: {  	_ =	sfence.sel $0xFFFF  }
0xc1: {  	[dreg:$0x0] =	wrdreg $0xFFFFFFFF;
	(pc) =	sbr.abs _section_cstart, $3  }
0xc2: {  	[dreg:$0x1] =	wrdreg $0xFFFFFFFF  }
0xc3: {  	_ =	task.clear_ibuf [dreg:s8], $0x2FFFF;
	_ =	strace $0x9FFFFFFF  }
0xc4: {  	(tm) =	ssettm $0x7FFFFFFF  }
0xc5: {  	_ =	shalt  }
tec
execute0_lowered:
.L_overlay_start_1:
0x0: {  	(tag) =	ssettag $0x1  }
0x1: {  	s0 =	srdreg.scid;
	s2 =	rddreg [dreg:$0x0]  }
0x2: {  	s7 =	stileid.u32;
	s4 =	rddreg [dreg:$0x1]  }
0x3: {  	s9 =	rddreg [dreg:$0x2];
	s3 =	simm.s32 $0x0;
	s0 =	sand.u32 $0x1, s0  }
0x4: {  	s11 =	simm.s32 $0x6400;
	s1 =	sshll.u32 s0, $0x4;
	s6 =	smul.u32 $0x19000, s0  }
0x5: {  	s26 =	simm.s32 $0x1;
	s1 =	sor.u32 s7, s1;
	s7 =	smul.u32 $0x1900, s7  }
0x6: {  	s17 =	simm.s32 $0x1DC00;
	s18 =	simm.s32 $0x2;
	s5 =	smul.u32 $0xC80, s1  }
0x7: {  	s19 =	simm.s32 $0x0;
	[smem:$0x7FF] =	sst s3;
	s1 =	smul.u32 $0x1900, s1  }
0x8: {  	_ =	strace $0x80000047;
	s0 =	ssub.s32 $0x2, s0;
	s30 =	sadd.s32 s7, s6  }
0x9: {  	s4 =	sadd.s32 s5, s4;
	s1 =	sshrl.u32 s1, $0x3;
	s5 =	sor.u32 $0x20, s30  }
0xa: {  	s31 =	sshrl.u32 s0, $0x1;
	s1 =	smul.u32 $0x300, s1;
	s5 =	sshrl.u32 s5, $0x3  }
0xb: {  	v2 =	vlaneseq.u32;
	s0 =	ssub.s32 s0, s31;
	s6 =	sadd.s32 $0x200, s2;
	s10 =	smul.u32 $0x300, s5  }
0xc: {  	vm0 =	vmmov $0xffff;
	v1 =	vshrl.u32 v2, $0x3;
	s7 =	smax.u32 s0, $0x1;
	s4 =	sadd.s32 $0x400, s4;
	s5 =	sadd.s32 $0x100, s2  }
0xd: {  	v0 =	vand.u32 $0x7, v2;
	v2 =	vor.u32 $0x8, v2;
	v1 =	vmul.u32 $0x8, v1;
	s8 =	sadd.s32 s9, s1;
	s22 =	sadd.s32 s10, s9;
	s10 =	simm.s32 $0x3  }
.LBB2_1:
0xe: {  	[tilespmem:s3], [sflag:$0x3] =	stream.linear.gather [hbm4b:s4+s3], $0x6400, $0x38;
	[tilespmem:$0x1E400] =	vst v63  }
0xf: {  	_ =	swait.ge [sflag:s10], $0x6400  }
0x10: {  	[sflag:s10] =	ssyncset.done $0x0  }
0x11: {  	[sflag:s10] =	ssyncadd.s32 $0xFFFF9C00  }
0x12: {  	v3 =	vld [tilespmem:$0x0];
	_ =	sdelay $0x4  }
0x13: {  	v4 =	vshrl.u32 v3, $0x3  }
0x14: {  	v4 =	vmul.u32 $0x30, v4  }
0x15: {  	v3 =	vand.u32 $0x7, v3  }
0x16: {  	v3 =	vor.u32 v3, v4  }
0x17: {  	v4 =	vperm.xlane v3, v0;
	_ =	sdelay $0x1  }
0x18: {  	v4 =	vadd.s32 v1, v4;
	_ =	sdelay $0x3  }
0x19: {  	v3 =	vperm.xlane v3, v2  }
0x1a: {  	[tilespmem:s11], [sflag:$0x1] =	stream.indirect_vreg.gather [hbm4b:s2+s3], $0x80, v4, vm0, $0xb8;
	[tilespmem:$0x1E400] =	vst v63  }
0x1b: {  	s0 =	simm.s32 $0x6C00;
	v3 =	vadd.s32 v1, v3  }
0x1c: {  	[tilespmem:s0], [sflag:$0x1] =	stream.indirect_vreg.gather [hbm4b:s5+s3], $0x80, v4, vm0, $0xb8;
	[tilespmem:$0x1E400] =	vst v63  }
0x1d: {  	s13 =	simm.s32 $0x7400  }
0x1e: {  	[tilespmem:s13], [sflag:$0x1] =	stream.indirect_vreg.gather [hbm4b:s6+s3], $0x80, v4, vm0, $0xb8;
	[tilespmem:$0x1E400] =	vst v63  }
0x1f: {  	s14 =	simm.s32 $0x7C00  }
0x20: {  	[tilespmem:s14], [sflag:$0x1] =	stream.indirect_vreg.gather [hbm4b:s2+s3], $0x80, v3, vm0, $0xb8;
	[tilespmem:$0x1E400] =	vst v63  }
0x21: {  	s15 =	simm.s32 $0x8400  }
0x22: {  	[tilespmem:s15], [sflag:$0x1] =	stream.indirect_vreg.gather [hbm4b:s5+s3], $0x80, v3, vm0, $0xb8;
	[tilespmem:$0x1E400] =	vst v63  }
0x23: {  	s16 =	simm.s32 $0x8C00  }
0x24: {  	[tilespmem:s16], [sflag:$0x1] =	stream.indirect_vreg.gather [hbm4b:s6+s3], $0x80, v3, vm0, $0xb8;
	[tilespmem:$0x1E400] =	vst v63  }
0x25: {  	v3 =	vld [tilespmem:$0x10];
	_ =	sdelay $0x4  }
0x26: {  	v4 =	vshrl.u32 v3, $0x3  }
0x27: {  	v4 =	vmul.u32 $0x30, v4  }
0x28: {  	v3 =	vand.u32 $0x7, v3  }
0x29: {  	v3 =	vor.u32 v3, v4  }
0x2a: {  	v4 =	vperm.xlane v3, v0;
	_ =	sdelay $0x1  }
0x2b: {  	v4 =	vadd.s32 v1, v4;
	_ =	sdelay $0x3  }
0x2c: {  	s20 =	simm.s32 $0x9400;
	v3 =	vperm.xlane v3, v2  }
0x2d: {  	[tilespmem:s20], [sflag:$0x1] =	stream.indirect_vreg.gather [hbm4b:s2+s3], $0x80, v4, vm0, $0xb8;
	[tilespmem:$0x1E400] =	vst v63  }
0x2e: {  	s21 =	simm.s32 $0x9C00;
	v3 =	vadd.s32 v1, v3  }
0x2f: {  	[tilespmem:s21], [sflag:$0x1] =	stream.indirect_vreg.gather [hbm4b:s5+s3], $0x80, v4, vm0, $0xb8;
	[tilespmem:$0x1E400] =	vst v63  }
0x30: {  	s23 =	simm.s32 $0xA400  }
0x31: {  	[tilespmem:s23], [sflag:$0x1] =	stream.indirect_vreg.gather [hbm4b:s6+s3], $0x80, v4, vm0, $0xb8;
	[tilespmem:$0x1E400] =	vst v63  }
0x32: {  	s24 =	simm.s32 $0xAC00  }
0x33: {  	[tilespmem:s24], [sflag:$0x1] =	stream.indirect_vreg.gather [hbm4b:s2+s3], $0x80, v3, vm0, $0xb8;
	[tilespmem:$0x1E400] =	vst v63  }
0x34: {  	s25 =	simm.s32 $0xB400  }
0x35: {  	[tilespmem:s25], [sflag:$0x1] =	stream.indirect_vreg.gather [hbm4b:s5+s3], $0x80, v3, vm0, $0xb8;
	[tilespmem:$0x1E400] =	vst v63  }
0x36: {  	s28 =	simm.s32 $0xBC00  }
0x37: {  	[tilespmem:s28], [sflag:$0x1] =	stream.indirect_vreg.gather [hbm4b:s6+s3], $0x80, v3, vm0, $0xb8;
	[tilespmem:$0x1E400] =	vst v63  }
0x38: {  	v3 =	vld [tilespmem:$0x80];
	_ =	sdelay $0x4  }
0x39: {  	v4 =	vshrl.u32 v3, $0x3  }
0x3a: {  	v4 =	vmul.u32 $0x30, v4  }
0x3b: {  	v3 =	vand.u32 $0x7, v3  }
0x3c: {  	v3 =	vor.u32 v3, v4  }
0x3d: {  	v4 =	vperm.xlane v3, v0;
	_ =	sdelay $0x1  }
0x3e: {  	v4 =	vadd.s32 v1, v4;
	_ =	sdelay $0x3  }
0x3f: {  	s29 =	simm.s32 $0xC400;
	v3 =	vperm.xlane v3, v2  }
0x40: {  	[tilespmem:s29], [sflag:$0x1] =	stream.indirect_vreg.gather [hbm4b:s2+s3], $0x80, v4, vm0, $0xb8;
	[tilespmem:$0x1E400] =	vst v63  }
0x41: {  	s30 =	simm.s32 $0xCC00;
	v3 =	vadd.s32 v1, v3  }
0x42: {  	[tilespmem:s30], [sflag:$0x1] =	stream.indirect_vreg.gather [hbm4b:s5+s3], $0x80, v4, vm0, $0xb8;
	[tilespmem:$0x1E400] =	vst v63  }
0x43: {  	s31 =	simm.s32 $0xD400  }
0x44: {  	[tilespmem:s31], [sflag:$0x1] =	stream.indirect_vreg.gather [hbm4b:s6+s3], $0x80, v4, vm0, $0xb8;
	[tilespmem:$0x1E400] =	vst v63  }
0x45: {  	s1 =	simm.s32 $0xDC00  }
0x46: {  	[tilespmem:s1], [sflag:$0x1] =	stream.indirect_vreg.gather [hbm4b:s2+s3], $0x80, v3, vm0, $0xb8;
	[tilespmem:$0x1E400] =	vst v63  }
0x47: {  	s9 =	simm.s32 $0xE400  }
0x48: {  	[tilespmem:s9], [sflag:$0x1] =	stream.indirect_vreg.gather [hbm4b:s5+s3], $0x80, v3, vm0, $0xb8;
	[tilespmem:$0x1E400] =	vst v63  }
0x49: {  	s12 =	simm.s32 $0xEC00  }
0x4a: {  	[tilespmem:s12], [sflag:$0x1] =	stream.indirect_vreg.gather [hbm4b:s6+s3], $0x80, v3, vm0, $0xb8;
	[tilespmem:$0x1E400] =	vst v63  }
0x4b: {  	v3 =	vld [tilespmem:$0x90];
	_ =	sdelay $0x4  }
0x4c: {  	v4 =	vshrl.u32 v3, $0x3  }
0x4d: {  	v4 =	vmul.u32 $0x30, v4  }
0x4e: {  	v3 =	vand.u32 $0x7, v3  }
0x4f: {  	v3 =	vor.u32 v3, v4  }
0x50: {  	v4 =	vperm.xlane v3, v0;
	_ =	sdelay $0x1  }
0x51: {  	v4 =	vadd.s32 v1, v4;
	_ =	sdelay $0x3  }
0x52: {  	s13 =	simm.s32 $0xF400;
	v3 =	vperm.xlane v3, v2  }
0x53: {  	[tilespmem:s13], [sflag:$0x1] =	stream.indirect_vreg.gather [hbm4b:s2+s3], $0x80, v4, vm0, $0xb8;
	[tilespmem:$0x1E400] =	vst v63  }
0x54: {  	s14 =	simm.s32 $0xFC00;
	v3 =	vadd.s32 v1, v3  }
0x55: {  	[tilespmem:s14], [sflag:$0x1] =	stream.indirect_vreg.gather [hbm4b:s5+s3], $0x80, v4, vm0, $0xb8;
	[tilespmem:$0x1E400] =	vst v63  }
0x56: {  	s15 =	simm.s32 $0x10400  }
0x57: {  	[tilespmem:s15], [sflag:$0x1] =	stream.indirect_vreg.gather [hbm4b:s6+s3], $0x80, v4, vm0, $0xb8;
	[tilespmem:$0x1E400] =	vst v63  }
0x58: {  	s16 =	simm.s32 $0x10C00  }
0x59: {  	[tilespmem:s16], [sflag:$0x1] =	stream.indirect_vreg.gather [hbm4b:s2+s3], $0x80, v3, vm0, $0xb8;
	[tilespmem:$0x1E400] =	vst v63  }
0x5a: {  	s20 =	simm.s32 $0x11400  }
0x5b: {  	[tilespmem:s20], [sflag:$0x1] =	stream.indirect_vreg.gather [hbm4b:s5+s3], $0x80, v3, vm0, $0xb8;
	[tilespmem:$0x1E400] =	vst v63  }
0x5c: {  	s21 =	simm.s32 $0x11C00  }
0x5d: {  	[tilespmem:s21], [sflag:$0x1] =	stream.indirect_vreg.gather [hbm4b:s6+s3], $0x80, v3, vm0, $0xb8;
	[tilespmem:$0x1E400] =	vst v63  }
0x5e: {  	v3 =	vld [tilespmem:$0x100];
	_ =	sdelay $0x4  }
0x5f: {  	v4 =	vshrl.u32 v3, $0x3  }
0x60: {  	v4 =	vmul.u32 $0x30, v4  }
0x61: {  	v3 =	vand.u32 $0x7, v3  }
0x62: {  	v3 =	vor.u32 v3, v4  }
0x63: {  	v4 =	vperm.xlane v3, v0;
	_ =	sdelay $0x1  }
0x64: {  	v4 =	vadd.s32 v1, v4;
	_ =	sdelay $0x3  }
0x65: {  	s23 =	simm.s32 $0x12400;
	v3 =	vperm.xlane v3, v2  }
0x66: {  	[tilespmem:s23], [sflag:$0x1] =	stream.indirect_vreg.gather [hbm4b:s2+s3], $0x80, v4, vm0, $0xb8;
	[tilespmem:$0x1E400] =	vst v63  }
0x67: {  	s24 =	simm.s32 $0x12C00;
	v3 =	vadd.s32 v1, v3  }
0x68: {  	[tilespmem:s24], [sflag:$0x1] =	stream.indirect_vreg.gather [hbm4b:s5+s3], $0x80, v4, vm0, $0xb8;
	[tilespmem:$0x1E400] =	vst v63  }
0x69: {  	s25 =	simm.s32 $0x13400  }
0x6a: {  	[tilespmem:s25], [sflag:$0x1] =	stream.indirect_vreg.gather [hbm4b:s6+s3], $0x80, v4, vm0, $0xb8;
	[tilespmem:$0x1E400] =	vst v63  }
0x6b: {  	s28 =	simm.s32 $0x13C00  }
0x6c: {  	[tilespmem:s28], [sflag:$0x1] =	stream.indirect_vreg.gather [hbm4b:s2+s3], $0x80, v3, vm0, $0xb8;
	[tilespmem:$0x1E400] =	vst v63  }
0x6d: {  	s29 =	simm.s32 $0x14400  }
0x6e: {  	[tilespmem:s29], [sflag:$0x1] =	stream.indirect_vreg.gather [hbm4b:s5+s3], $0x80, v3, vm0, $0xb8;
	[tilespmem:$0x1E400] =	vst v63  }
0x6f: {  	s30 =	simm.s32 $0x14C00  }
0x70: {  	[tilespmem:s30], [sflag:$0x1] =	stream.indirect_vreg.gather [hbm4b:s6+s3], $0x80, v3, vm0, $0xb8;
	[tilespmem:$0x1E400] =	vst v63  }
0x71: {  	v3 =	vld [tilespmem:$0x110];
	_ =	sdelay $0x4  }
0x72: {  	v4 =	vshrl.u32 v3, $0x3  }
0x73: {  	v4 =	vmul.u32 $0x30, v4  }
0x74: {  	v3 =	vand.u32 $0x7, v3  }
0x75: {  	v3 =	vor.u32 v3, v4  }
0x76: {  	v4 =	vperm.xlane v3, v0;
	_ =	sdelay $0x1  }
0x77: {  	v4 =	vadd.s32 v1, v4;
	_ =	sdelay $0x3  }
0x78: {  	s31 =	simm.s32 $0x15400;
	v3 =	vperm.xlane v3, v2  }
0x79: {  	[tilespmem:s31], [sflag:$0x1] =	stream.indirect_vreg.gather [hbm4b:s2+s3], $0x80, v4, vm0, $0xb8;
	[tilespmem:$0x1E400] =	vst v63  }
0x7a: {  	s1 =	simm.s32 $0x15C00;
	v3 =	vadd.s32 v1, v3  }
0x7b: {  	[tilespmem:s1], [sflag:$0x1] =	stream.indirect_vreg.gather [hbm4b:s5+s3], $0x80, v4, vm0, $0xb8;
	[tilespmem:$0x1E400] =	vst v63  }
0x7c: {  	s9 =	simm.s32 $0x16400  }
0x7d: {  	[tilespmem:s9], [sflag:$0x1] =	stream.indirect_vreg.gather [hbm4b:s6+s3], $0x80, v4, vm0, $0xb8;
	[tilespmem:$0x1E400] =	vst v63  }
0x7e: {  	s12 =	simm.s32 $0x16C00  }
0x7f: {  	[tilespmem:s12], [sflag:$0x1] =	stream.indirect_vreg.gather [hbm4b:s2+s3], $0x80, v3, vm0, $0xb8;
	[tilespmem:$0x1E400] =	vst v63  }
0x80: {  	s13 =	simm.s32 $0x17400  }
0x81: {  	[tilespmem:s13], [sflag:$0x1] =	stream.indirect_vreg.gather [hbm4b:s5+s3], $0x80, v3, vm0, $0xb8;
	[tilespmem:$0x1E400] =	vst v63  }
0x82: {  	s14 =	simm.s32 $0x17C00  }
0x83: {  	[tilespmem:s14], [sflag:$0x1] =	stream.indirect_vreg.gather [hbm4b:s6+s3], $0x80, v3, vm0, $0xb8;
	[tilespmem:$0x1E400] =	vst v63  }
0x84: {  	_ =	swait.ge [sflag:s26], $0x6000  }
0x85: {  	[sflag:s26] =	ssyncset.done $0x0  }
0x86: {  	[sflag:s26] =	ssyncadd.s32 $0xFFFFA000  }
0x87: {  	[hbm4b:s8+s3] =	stream.linear.scatter [tilespmem:s11], [sflag:$0x2], $0x6000, $0x38;
	[tilespmem:$0x1E400] =	vst v63  }
0x88: {  	v3 =	vld [tilespmem:$0x180];
	_ =	sdelay $0x4  }
0x89: {  	v4 =	vshrl.u32 v3, $0x3  }
0x8a: {  	v4 =	vmul.u32 $0x30, v4  }
0x8b: {  	v3 =	vand.u32 $0x7, v3  }
0x8c: {  	v3 =	vor.u32 v3, v4  }
0x8d: {  	v4 =	vperm.xlane v3, v0;
	_ =	sdelay $0x1  }
0x8e: {  	v4 =	vadd.s32 v1, v4;
	_ =	sdelay $0x3  }
0x8f: {  	s15 =	simm.s32 $0x18400;
	v3 =	vperm.xlane v3, v2  }
0x90: {  	[tilespmem:s15], [sflag:$0x1] =	stream.indirect_vreg.gather [hbm4b:s2+s3], $0x80, v4, vm0, $0xb8;
	[tilespmem:$0x1E400] =	vst v63  }
0x91: {  	s16 =	simm.s32 $0x18C00;
	v3 =	vadd.s32 v1, v3  }
0x92: {  	[tilespmem:s16], [sflag:$0x1] =	stream.indirect_vreg.gather [hbm4b:s5+s3], $0x80, v4, vm0, $0xb8;
	[tilespmem:$0x1E400] =	vst v63  }
0x93: {  	s20 =	simm.s32 $0x19400  }
0x94: {  	[tilespmem:s20], [sflag:$0x1] =	stream.indirect_vreg.gather [hbm4b:s6+s3], $0x80, v4, vm0, $0xb8;
	[tilespmem:$0x1E400] =	vst v63  }
0x95: {  	s21 =	simm.s32 $0x19C00  }
0x96: {  	[tilespmem:s21], [sflag:$0x1] =	stream.indirect_vreg.gather [hbm4b:s2+s3], $0x80, v3, vm0, $0xb8;
	[tilespmem:$0x1E400] =	vst v63  }
0x97: {  	s23 =	simm.s32 $0x1A400  }
0x98: {  	[tilespmem:s23], [sflag:$0x1] =	stream.indirect_vreg.gather [hbm4b:s5+s3], $0x80, v3, vm0, $0xb8;
	[tilespmem:$0x1E400] =	vst v63  }
0x99: {  	s24 =	simm.s32 $0x1AC00  }
0x9a: {  	[tilespmem:s24], [sflag:$0x1] =	stream.indirect_vreg.gather [hbm4b:s6+s3], $0x80, v3, vm0, $0xb8;
	[tilespmem:$0x1E400] =	vst v63  }
0x9b: {  	v3 =	vld [tilespmem:$0x190];
	_ =	sdelay $0x4  }
0x9c: {  	v4 =	vshrl.u32 v3, $0x3  }
0x9d: {  	v4 =	vmul.u32 $0x30, v4  }
0x9e: {  	v3 =	vand.u32 $0x7, v3  }
0x9f: {  	v3 =	vor.u32 v3, v4  }
0xa0: {  	v4 =	vperm.xlane v3, v0;
	_ =	sdelay $0x1  }
0xa1: {  	v4 =	vadd.s32 v1, v4;
	_ =	sdelay $0x3  }
0xa2: {  	s25 =	simm.s32 $0x1B400;
	v3 =	vperm.xlane v3, v2  }
0xa3: {  	[tilespmem:s25], [sflag:$0x1] =	stream.indirect_vreg.gather [hbm4b:s2+s3], $0x80, v4, vm0, $0xb8;
	[tilespmem:$0x1E400] =	vst v63  }
0xa4: {  	s28 =	simm.s32 $0x1BC00;
	v3 =	vadd.s32 v1, v3  }
0xa5: {  	[tilespmem:s28], [sflag:$0x1] =	stream.indirect_vreg.gather [hbm4b:s5+s3], $0x80, v4, vm0, $0xb8;
	[tilespmem:$0x1E400] =	vst v63  }
0xa6: {  	s29 =	simm.s32 $0x1C400  }
0xa7: {  	[tilespmem:s29], [sflag:$0x1] =	stream.indirect_vreg.gather [hbm4b:s6+s3], $0x80, v4, vm0, $0xb8;
	[tilespmem:$0x1E400] =	vst v63  }
0xa8: {  	s30 =	simm.s32 $0x1CC00;
	s1 =	simm.s32 $0x1  }
0xa9: {  	[tilespmem:s30], [sflag:$0x1] =	stream.indirect_vreg.gather [hbm4b:s2+s3], $0x80, v3, vm0, $0xb8;
	[tilespmem:$0x1E400] =	vst v63  }
0xaa: {  	s31 =	simm.s32 $0x1D400;
	s1 =	sand.u32 $0x3, s1  }
0xab: {  	[tilespmem:s31], [sflag:$0x1] =	stream.indirect_vreg.gather [hbm4b:s5+s3], $0x80, v3, vm0, $0xb8;
	[tilespmem:$0x1E400] =	vst v63  }
0xac: {  	s1 =	smul.u32 $0x18000, s1  }
0xad: {  	[tilespmem:s17], [sflag:$0x1] =	stream.indirect_vreg.gather [hbm4b:s6+s3], $0x80, v3, vm0, $0xb8;
	[tilespmem:$0x1E400] =	vst v63  }
0xae: {  	_ =	swait.ge [sflag:s26], $0x6000  }
0xaf: {  	s1 =	sshrl.u32 s1, $0x2;
	[sflag:s26] =	ssyncset.done $0x0  }
0xb0: {  	s1 =	sadd.s32 $0x6400, s1;
	[sflag:s26] =	ssyncadd.s32 $0xFFFFA000  }
0xb1: {  	[hbm4b:s22+s3] =	stream.linear.scatter [tilespmem:s1], [sflag:$0x2], $0x6000, $0x38;
	[tilespmem:$0x1E400] =	vst v63  }
0xb2: {  	_ =	swait.ge [sflag:s18], $0x6000  }
0xb3: {  	[sflag:s18] =	ssyncset.done $0x0  }
0xb4: {  	p0 =	por $0x0, $0x0;
	s1 =	simm.s32 $0x210;
	[sflag:s18] =	ssyncadd.s32 $0xFFFFA000  }
0xb5: {  	v3 =	vld @!p0 [tilespmem:s1+$0xFFFFFFF0];
	_ =	sdelay $0x4  }
0xb6: {  	v4 =	vshrl.u32 @!p0 v3, $0x3  }
0xb7: {  	v4 =	vmul.u32 @!p0 $0x30, v4  }
0xb8: {  	v5 =	vlaneseq.u32 @!p0;
	v3 =	vand.u32 @!p0 $0x7, v3  }
0xb9: {  	v6 =	vshrl.u32 @!p0 v5, $0x3;
	v3 =	vor.u32 @!p0 v3, v4;
	v4 =	vand.u32 @!p0 $0x7, v5  }
0xba: {  	v6 =	vmul.u32 @!p0 $0x8, v6;
	v7 =	vperm.xlane @!p0 v3, v4  }
0xbb: {  	s9 =	simm.s32 $0x4  }
0xbc: {  	s9 =	sand.u32 @!p0 $0x3, s9;
	v7 =	vadd.s32 @!p0 v6, v7  }
0xbd: {  	s9 =	smul.u32 @!p0 $0x18000, s9;
	_ =	sdelay $0x1  }
0xbe: {  	s9 =	sshrl.u32 @!p0 s9, $0x2;
	v5 =	vor.u32 @!p0 $0x8, v5  }
0xbf: {  	vm1 =	vmmov @!p0 $0xffff;
	s20 =	sadd.s32 @!p0 $0x6400, s9;
	s24 =	simm.s32 @!p0 $0x0;
	v3 =	vperm.xlane @!p0 v3, v5  }
0xc0: {  	[tilespmem:s20], [sflag:$0x1] =	stream.indirect_vreg.gather @!p0 [hbm4b:s2+s24], $0x80, v7, vm1, $0xb8;
	[tilespmem:$0x1E400] =	vst v63  }
0xc1: {  	v3 =	vadd.s32 @!p0 v6, v3;
	s20 =	sadd.s32 @!p0 $0x6C00, s9  }
0xc2: {  	[tilespmem:s20], [sflag:$0x1] =	stream.indirect_vreg.gather @!p0 [hbm4b:s5+s24], $0x80, v7, vm1, $0xb8;
	[tilespmem:$0x1E400] =	vst v63  }
0xc3: {  	s20 =	sadd.s32 @!p0 $0x7400, s9  }
0xc4: {  	[tilespmem:s20], [sflag:$0x1] =	stream.indirect_vreg.gather @!p0 [hbm4b:s6+s24], $0x80, v7, vm1, $0xb8;
	[tilespmem:$0x1E400] =	vst v63  }
0xc5: {  	s20 =	sadd.s32 @!p0 $0x7C00, s9  }
0xc6: {  	[tilespmem:s20], [sflag:$0x1] =	stream.indirect_vreg.gather @!p0 [hbm4b:s2+s24], $0x80, v3, vm1, $0xb8;
	[tilespmem:$0x1E400] =	vst v63  }
0xc7: {  	s20 =	sadd.s32 @!p0 $0x8400, s9  }
0xc8: {  	[tilespmem:s20], [sflag:$0x1] =	stream.indirect_vreg.gather @!p0 [hbm4b:s5+s24], $0x80, v3, vm1, $0xb8;
	[tilespmem:$0x1E400] =	vst v63  }
0xc9: {  	s20 =	sadd.s32 @!p0 $0x8C00, s9  }
0xca: {  	[tilespmem:s20], [sflag:$0x1] =	stream.indirect_vreg.gather @!p0 [hbm4b:s6+s24], $0x80, v3, vm1, $0xb8;
	[tilespmem:$0x1E400] =	vst v63  }
0xcb: {  	v3 =	vld @!p0 [tilespmem:s1+$0x0];
	_ =	sdelay $0x4  }
0xcc: {  	v7 =	vshrl.u32 @!p0 v3, $0x3  }
0xcd: {  	v7 =	vmul.u32 @!p0 $0x30, v7  }
0xce: {  	v3 =	vand.u32 @!p0 $0x7, v3  }
0xcf: {  	v3 =	vor.u32 @!p0 v3, v7  }
0xd0: {  	v4 =	vperm.xlane @!p0 v3, v4;
	_ =	sdelay $0x1  }
0xd1: {  	v4 =	vadd.s32 @!p0 v6, v4;
	_ =	sdelay $0x3  }
0xd2: {  	s1 =	sadd.s32 @!p0 $0x9400, s9;
	v3 =	vperm.xlane @!p0 v3, v5  }
0xd3: {  	[tilespmem:s1], [sflag:$0x1] =	stream.indirect_vreg.gather @!p0 [hbm4b:s2+s24], $0x80, v4, vm1, $0xb8;
	[tilespmem:$0x1E400] =	vst v63  }
0xd4: {  	v3 =	vadd.s32 @!p0 v6, v3;
	s1 =	sadd.s32 @!p0 $0x9C00, s9  }
0xd5: {  	[tilespmem:s1], [sflag:$0x1] =	stream.indirect_vreg.gather @!p0 [hbm4b:s5+s24], $0x80, v4, vm1, $0xb8;
	[tilespmem:$0x1E400] =	vst v63  }
0xd6: {  	s1 =	sadd.s32 @!p0 $0xA400, s9  }
0xd7: {  	[tilespmem:s1], [sflag:$0x1] =	stream.indirect_vreg.gather @!p0 [hbm4b:s6+s24], $0x80, v4, vm1, $0xb8;
	[tilespmem:$0x1E400] =	vst v63  }
0xd8: {  	s21 =	simm.s32 $0x5;
	s1 =	sadd.s32 @!p0 $0xAC00, s9  }
0xd9: {  	[tilespmem:s1], [sflag:$0x1] =	stream.indirect_vreg.gather @!p0 [hbm4b:s2+s24], $0x80, v3, vm1, $0xb8;
	[tilespmem:$0x1E400] =	vst v63  }
0xda: {  	s23 =	simm.s32 $0x6;
	s25 =	sadd.s32 @!p0 $0xBC00, s9;
	s1 =	sadd.s32 @!p0 $0xB400, s9  }
0xdb: {  	[tilespmem:s1], [sflag:$0x1] =	stream.indirect_vreg.gather @!p0 [hbm4b:s5+s24], $0x80, v3, vm1, $0xb8;
	[tilespmem:$0x1E400] =	vst v63  }
0xdc: {  	s20 =	simm.s32 $0x290;
	s9 =	smov.u32 s22;
	s1 =	simm.s32 $0x2  }
.LBB2_2:
0xdd: {  	s28 =	sand.u32 $0x3, s1  }
0xde: {  	s9 =	sadd.s32 $0xC00, s9;
	s29 =	smov.u32 s23;
	s23 =	sadd.s32 $0x1, s23  }
0xdf: {  	p1 =	sne.s32 s23, $0xCB;
	s28 =	smul.u32 $0x18000, s28  }
0xe0: {  	[tilespmem:s25], [sflag:$0x1] =	stream.indirect_vreg.gather @!p0 [hbm4b:s6+s24], $0x80, v3, vm1, $0xb8;
	[tilespmem:$0x1E400] =	vst v63  }
0xe1: {  	_ =	swait.ge [sflag:s26], $0x6000;
	s24 =	sshrl.u32 s28, $0x2  }
0xe2: {  	[sflag:s26] =	ssyncset.done $0x0;
	s24 =	sadd.s32 $0x6400, s24  }
0xe3: {  	[sflag:s26] =	ssyncadd.s32 $0xFFFFA000  }
0xe4: {  	[hbm4b:s9+s3] =	stream.linear.scatter [tilespmem:s24], [sflag:$0x2], $0x6000, $0x38;
	[tilespmem:$0x1E400] =	vst v63  }
0xe5: {  	_ =	swait.ge [sflag:s18], $0x6000  }
0xe6: {  	[sflag:s18] =	ssyncset.done $0x0  }
0xe7: {  	p0 =	sgt.u32 s1, $0xC4;
	[sflag:s18] =	ssyncadd.s32 $0xFFFFA000  }
0xe8: {  	s1 =	sand.u32 @!p0 $0x3, s21;
	v4 =	vlaneseq.u32 @!p0;
	s21 =	smov.u32 s29;
	v3 =	vld @!p0 [tilespmem:s20+$0xFFFFFFF0]  }
0xe9: {  	s1 =	smul.u32 @!p0 $0x18000, s1;
	v5 =	vshrl.u32 @!p0 v4, $0x3;
	_ =	sdelay $0x1  }
0xea: {  	s24 =	sshrl.u32 @!p0 s1, $0x2  }
0xeb: {  	s0 =	sadd.s32 @!p0 $0x6400, s24;
	s12 =	sadd.s32 @!p0 $0x6C00, s24;
	s13 =	sadd.s32 @!p0 $0x7400, s24  }
0xec: {  	s14 =	sadd.s32 @!p0 $0x7C00, s24;
	s15 =	sadd.s32 @!p0 $0x8400, s24;
	s16 =	sadd.s32 @!p0 $0x8C00, s24;
	v6 =	vshrl.u32 @!p0 v3, $0x3  }
0xed: {  	s1 =	sadd.s32 @!p0 $0x9400, s24;
	s31 =	sadd.s32 @!p0 $0x9C00, s24;
	s29 =	sadd.s32 @!p0 $0xA400, s24;
	v6 =	vmul.u32 @!p0 $0x30, v6  }
0xee: {  	s30 =	sadd.s32 @!p0 $0xAC00, s24;
	s28 =	sadd.s32 @!p0 $0xB400, s24;
	s25 =	sadd.s32 @!p0 $0xBC00, s24;
	v3 =	vand.u32 @!p0 $0x7, v3  }
0xef: {  	v3 =	vor.u32 @!p0 v3, v6;
	v6 =	vand.u32 @!p0 $0x7, v4;
	v4 =	vor.u32 @!p0 $0x8, v4  }
0xf0: {  	v5 =	vmul.u32 @!p0 $0x8, v5;
	v7 =	vperm.xlane @!p0 v3, v6;
	v3 =	vperm.xlane @!p0 v3, v4;
	_ =	sdelay $0x1  }
0xf1: {  	v7 =	vadd.s32 @!p0 v5, v7;
	_ =	sdelay $0x3  }
0xf2: {  	vm1 =	vmmov @!p0 $0xffff;
	s24 =	simm.s32 @!p0 $0x0  }
0xf3: {  	[tilespmem:s0], [sflag:$0x1] =	stream.indirect_vreg.gather @!p0 [hbm4b:s2+s24], $0x80, v7, vm1, $0xb8;
	[tilespmem:$0x1E400] =	vst v63  }
0xf4: {  	v3 =	vadd.s32 @!p0 v5, v3  }
0xf5: {  	[tilespmem:s12], [sflag:$0x1] =	stream.indirect_vreg.gather @!p0 [hbm4b:s5+s24], $0x80, v7, vm1, $0xb8;
	[tilespmem:$0x1E400] =	vst v63  }
0xf6: {  	_ = 	snop  }
0xf7: {  	[tilespmem:s13], [sflag:$0x1] =	stream.indirect_vreg.gather @!p0 [hbm4b:s6+s24], $0x80, v7, vm1, $0xb8;
	[tilespmem:$0x1E400] =	vst v63  }
0xf8: {  	_ = 	snop  }
0xf9: {  	[tilespmem:s14], [sflag:$0x1] =	stream.indirect_vreg.gather @!p0 [hbm4b:s2+s24], $0x80, v3, vm1, $0xb8;
	[tilespmem:$0x1E400] =	vst v63  }
0xfa: {  	_ = 	snop  }
0xfb: {  	[tilespmem:s15], [sflag:$0x1] =	stream.indirect_vreg.gather @!p0 [hbm4b:s5+s24], $0x80, v3, vm1, $0xb8;
	[tilespmem:$0x1E400] =	vst v63  }
0xfc: {  	_ = 	snop  }
0xfd: {  	[tilespmem:s16], [sflag:$0x1] =	stream.indirect_vreg.gather @!p0 [hbm4b:s6+s24], $0x80, v3, vm1, $0xb8;
	[tilespmem:$0x1E400] =	vst v63  }
0xfe: {  	v3 =	vld @!p0 [tilespmem:s20+$0x0];
	_ =	sdelay $0x4  }
0xff: {  	v7 =	vshrl.u32 @!p0 v3, $0x3  }
0x100: {  	v7 =	vmul.u32 @!p0 $0x30, v7  }
0x101: {  	v3 =	vand.u32 @!p0 $0x7, v3  }
0x102: {  	v3 =	vor.u32 @!p0 v3, v7  }
0x103: {  	v6 =	vperm.xlane @!p0 v3, v6;
	v3 =	vperm.xlane @!p0 v3, v4;
	_ =	sdelay $0x1  }
0x104: {  	v4 =	vadd.s32 @!p0 v5, v6;
	_ =	sdelay $0x4  }
0x105: {  	[tilespmem:s1], [sflag:$0x1] =	stream.indirect_vreg.gather @!p0 [hbm4b:s2+s24], $0x80, v4, vm1, $0xb8;
	[tilespmem:$0x1E400] =	vst v63  }
0x106: {  	v3 =	vadd.s32 @!p0 v5, v3  }
0x107: {  	[tilespmem:s31], [sflag:$0x1] =	stream.indirect_vreg.gather @!p0 [hbm4b:s5+s24], $0x80, v4, vm1, $0xb8;
	[tilespmem:$0x1E400] =	vst v63  }
0x108: {  	_ = 	snop  }
0x109: {  	[tilespmem:s29], [sflag:$0x1] =	stream.indirect_vreg.gather @!p0 [hbm4b:s6+s24], $0x80, v4, vm1, $0xb8;
	[tilespmem:$0x1E400] =	vst v63  }
.Ltmp0:
0x10a: {  	_ = 	snop;
	(pc) =	sbr.rel @p1 .LBB2_2-.Ltmp0, $4  }
0x10b: {  	_ = 	snop  }
0x10c: {  	[tilespmem:s30], [sflag:$0x1] =	stream.indirect_vreg.gather @!p0 [hbm4b:s2+s24], $0x80, v3, vm1, $0xb8;
	[tilespmem:$0x1E400] =	vst v63  }
0x10d: {  	s20 =	sadd.s32 $0x80, s20;
	s1 =	sadd.s32 $0xFFFFFFFD, s21  }
0x10e: {  	[tilespmem:s28], [sflag:$0x1] =	stream.indirect_vreg.gather @!p0 [hbm4b:s5+s24], $0x80, v3, vm1, $0xb8;
	[tilespmem:$0x1E400] =	vst v63  }
0x10f: {  	_ =	sdelay $0x2  }
0x110: {  	s0 =	sand.u32 $0x3, s1  }
0x111: {  	[tilespmem:s25], [sflag:$0x1] =	stream.indirect_vreg.gather @!p0 [hbm4b:s6+s24], $0x80, v3, vm1, $0xb8;
	[tilespmem:$0x1E400] =	vst v63  }
0x112: {  	s0 =	smul.u32 $0x18000, s0  }
0x113: {  	_ =	swait.ge [sflag:s26], $0x6000  }
0x114: {  	[sflag:s26] =	ssyncset.done $0x0;
	s0 =	sshrl.u32 s0, $0x2  }
0x115: {  	s9 =	sadd.s32 $0xC00, s9;
	[sflag:s26] =	ssyncadd.s32 $0xFFFFA000;
	s0 =	sadd.s32 $0x6400, s0  }
0x116: {  	[hbm4b:s9+s3] =	stream.linear.scatter [tilespmem:s0], [sflag:$0x2], $0x6000, $0x38;
	[tilespmem:$0x1E400] =	vst v63  }
0x117: {  	_ =	swait.ge [sflag:s18], $0x6000  }
0x118: {  	[sflag:s18] =	ssyncset.done $0x0  }
0x119: {  	p0 =	sgt.u32 s1, $0xC4;
	[sflag:s18] =	ssyncadd.s32 $0xFFFFA000  }
0x11a: {  	v3 =	vld @!p0 [tilespmem:s20+$0xFFFFFFF0];
	_ =	sdelay $0x4  }
0x11b: {  	v4 =	vshrl.u32 @!p0 v3, $0x3  }
0x11c: {  	v4 =	vmul.u32 @!p0 $0x30, v4  }
0x11d: {  	v5 =	vlaneseq.u32 @!p0;
	v3 =	vand.u32 @!p0 $0x7, v3  }
0x11e: {  	v6 =	vshrl.u32 @!p0 v5, $0x3;
	v3 =	vor.u32 @!p0 v3, v4;
	v4 =	vand.u32 @!p0 $0x7, v5  }
0x11f: {  	v6 =	vmul.u32 @!p0 $0x8, v6;
	v7 =	vperm.xlane @!p0 v3, v4;
	_ =	sdelay $0x1  }
0x120: {  	s0 =	sand.u32 @!p0 $0x3, s21;
	v7 =	vadd.s32 @!p0 v6, v7  }
0x121: {  	s0 =	smul.u32 @!p0 $0x18000, s0;
	_ =	sdelay $0x1  }
0x122: {  	s0 =	sshrl.u32 @!p0 s0, $0x2;
	v5 =	vor.u32 @!p0 $0x8, v5  }
0x123: {  	vm1 =	vmmov @!p0 $0xffff;
	s9 =	simm.s32 @!p0 $0x0;
	s1 =	sadd.s32 @!p0 $0x6400, s0;
	v3 =	vperm.xlane @!p0 v3, v5  }
0x124: {  	[tilespmem:s1], [sflag:$0x1] =	stream.indirect_vreg.gather @!p0 [hbm4b:s2+s9], $0x80, v7, vm1, $0xb8;
	[tilespmem:$0x1E400] =	vst v63  }
0x125: {  	v3 =	vadd.s32 @!p0 v6, v3;
	s1 =	sadd.s32 @!p0 $0x6C00, s0  }
0x126: {  	[tilespmem:s1], [sflag:$0x1] =	stream.indirect_vreg.gather @!p0 [hbm4b:s5+s9], $0x80, v7, vm1, $0xb8;
	[tilespmem:$0x1E400] =	vst v63  }
0x127: {  	s1 =	sadd.s32 @!p0 $0x7400, s0  }
0x128: {  	[tilespmem:s1], [sflag:$0x1] =	stream.indirect_vreg.gather @!p0 [hbm4b:s6+s9], $0x80, v7, vm1, $0xb8;
	[tilespmem:$0x1E400] =	vst v63  }
0x129: {  	s1 =	sadd.s32 @!p0 $0x7C00, s0  }
0x12a: {  	[tilespmem:s1], [sflag:$0x1] =	stream.indirect_vreg.gather @!p0 [hbm4b:s2+s9], $0x80, v3, vm1, $0xb8;
	[tilespmem:$0x1E400] =	vst v63  }
0x12b: {  	s1 =	sadd.s32 @!p0 $0x8400, s0  }
0x12c: {  	[tilespmem:s1], [sflag:$0x1] =	stream.indirect_vreg.gather @!p0 [hbm4b:s5+s9], $0x80, v3, vm1, $0xb8;
	[tilespmem:$0x1E400] =	vst v63  }
0x12d: {  	s1 =	sadd.s32 @!p0 $0x8C00, s0  }
0x12e: {  	[tilespmem:s1], [sflag:$0x1] =	stream.indirect_vreg.gather @!p0 [hbm4b:s6+s9], $0x80, v3, vm1, $0xb8;
	[tilespmem:$0x1E400] =	vst v63  }
0x12f: {  	v3 =	vld @!p0 [tilespmem:s20+$0x0];
	_ =	sdelay $0x4  }
0x130: {  	v7 =	vshrl.u32 @!p0 v3, $0x3  }
0x131: {  	v7 =	vmul.u32 @!p0 $0x30, v7  }
0x132: {  	v3 =	vand.u32 @!p0 $0x7, v3  }
0x133: {  	v3 =	vor.u32 @!p0 v3, v7  }
0x134: {  	v4 =	vperm.xlane @!p0 v3, v4;
	_ =	sdelay $0x1  }
0x135: {  	v4 =	vadd.s32 @!p0 v6, v4;
	_ =	sdelay $0x3  }
0x136: {  	s1 =	sadd.s32 @!p0 $0x9400, s0;
	v3 =	vperm.xlane @!p0 v3, v5  }
0x137: {  	[tilespmem:s1], [sflag:$0x1] =	stream.indirect_vreg.gather @!p0 [hbm4b:s2+s9], $0x80, v4, vm1, $0xb8;
	[tilespmem:$0x1E400] =	vst v63  }
0x138: {  	v3 =	vadd.s32 @!p0 v6, v3;
	s1 =	sadd.s32 @!p0 $0x9C00, s0  }
0x139: {  	[tilespmem:s1], [sflag:$0x1] =	stream.indirect_vreg.gather @!p0 [hbm4b:s5+s9], $0x80, v4, vm1, $0xb8;
	[tilespmem:$0x1E400] =	vst v63  }
0x13a: {  	s1 =	sadd.s32 @!p0 $0xA400, s0  }
0x13b: {  	[tilespmem:s1], [sflag:$0x1] =	stream.indirect_vreg.gather @!p0 [hbm4b:s6+s9], $0x80, v4, vm1, $0xb8;
	[tilespmem:$0x1E400] =	vst v63  }
0x13c: {  	s1 =	sadd.s32 @!p0 $0xAC00, s0  }
0x13d: {  	[tilespmem:s1], [sflag:$0x1] =	stream.indirect_vreg.gather @!p0 [hbm4b:s2+s9], $0x80, v3, vm1, $0xb8;
	[tilespmem:$0x1E400] =	vst v63  }
0x13e: {  	s1 =	sadd.s32 @!p0 $0xB400, s0  }
0x13f: {  	[tilespmem:s1], [sflag:$0x1] =	stream.indirect_vreg.gather @!p0 [hbm4b:s5+s9], $0x80, v3, vm1, $0xb8;
	[tilespmem:$0x1E400] =	vst v63  }
0x140: {  	s19 =	sadd.s32 $0x1, s19;
	s0 =	sadd.s32 @!p0 $0xBC00, s0  }
0x141: {  	[tilespmem:s0], [sflag:$0x1] =	stream.indirect_vreg.gather @!p0 [hbm4b:s6+s9], $0x80, v3, vm1, $0xb8;
	[tilespmem:$0x1E400] =	vst v63  }
0x142: {  	p0 =	sne.s32 s19, s7  }
.Ltmp1:
0x143: {  	_ = 	snop;
	(pc) =	sbr.rel @p0 .LBB2_1-.Ltmp1, $4  }
0x144: {  	_ = 	snop  }
0x145: {  	_ =	swait.ge [sflag:s18], $0x6000  }
0x146: {  	[sflag:s18] =	ssyncset.done $0x0  }
0x147: {  	[sflag:s18] =	ssyncadd.s32 $0xFFFFA000  }
0x148: {  	_ =	sfence.sel $0x180000  }
0x149: {  	[bflag:$0x0] =	sbarrier.arrive $0xFFFF  }
0x14a: {  	_ =	strace $0x90000047  }
0x14b: {  	s0 =	stileid.u32;
	[bflag:$0x2] =	sbarrier.arrive $0xFFFF  }
0x14c: {  	p0 =	sne.s32 s0, $0x0;
	s0 =	rddreg [dreg:$0x3]  }
0x14d: {  	s0 =	sadd.s32 @!p0 $0x100000, s0  }
0x14e: {  	[sflag:s0] =	ssyncadd.tile.s32 @!p0 $0x1;
	_ =	shalt  }
.Lfunc_end2:
_tile_overlayer_lowered:
.L_overlay_start_2:
0x14f: {  	(tag) =	ssettag $0x2  }
0x150: {  	s0 =	rddreg [dreg:$0x0];
	s2 =	stileid.u32  }
0x151: {  	s1 =	rddreg [dreg:$0x1];
	p0 =	sne.s32 s2, $0x0  }
0x152: {  	s3 =	rddreg [dreg:$0x2];
	[bflag:$0x3] =	sbarrier.arrive $0xFFFF;
	s2 =	simm.s32 @!p0 $0x1C03  }
0x153: {  	[timem:s3], [sflag:s2] =	dma.local @!p0 [hbm:s0], s1  }
0x154: {  	s0 =	simm.s32 @!p0 $0x3  }
0x155: {  	_ =	swait.ge @!p0 [sflag:s0], s1  }
0x156: {  	s1 =	ssub.s32 @!p0 $0x0, s1;
	[sflag:s0] =	ssyncset.done @!p0 $0x0  }
0x157: {  	[sflag:s0] =	ssyncadd.s32 @!p0 s1  }
0x158: {  	[bflag:$0x3] =	sbarrier.arrive $0xFFFF  }
0x159: {  	_ =	shalt  }

</sc_bundles>
